<compile_context>
chip_gen: v7x
topology: tpu7x:2x2x1
jax: 0.10.2.dev20260603
libtpu: 0.0.44.dev20260713+nightly
codegen_flags: <defaults>
</compile_context>

<pallas_src>
import functools

import jax
import jax.numpy as jnp
from jax import lax
from jax.experimental import pallas as pl
from jax.experimental.pallas import tpu as pltpu
from jax.experimental.pallas import tpu_sc as plsc

_NC = 2
_NS = 16
_NW = _NC * _NS
_L = 16


def _sc_count_body(p_hbm, u_hbm, out_hbm, pbuf, buf0, buf1, obuf, sem0, sem1,
                   *, rows_per_worker, chunk_rows):
    c = lax.axis_index("c")
    s = lax.axis_index("s")
    wid = s * _NC + c
    base = pl.multiple_of(wid * rows_per_worker, 8)
    nchunk = rows_per_worker // chunk_rows
    npair = nchunk // 2

    pltpu.sync_copy(p_hbm, pbuf)
    p = pbuf[...]

    def copy(k, buf, sem):
        return pltpu.make_async_copy(
            u_hbm.at[pl.ds(base + k * chunk_rows, chunk_rows)], buf, sem)

    def process(buf, a):
        def row_body(i, aa):
            u = buf[i]
            return aa + jnp.where(u < p, 1.0, 0.0)
        return lax.fori_loop(0, chunk_rows, row_body, a, unroll=8)

    copy(0, buf0, sem0).start()
    copy(1, buf1, sem1).start()

    def pair_body(t, a):
        k0 = 2 * t
        copy(k0, buf0, sem0).wait()
        a = process(buf0, a)

        @pl.when(t < npair - 1)
        def _():
            copy(k0 + 2, buf0, sem0).start()

        copy(k0 + 1, buf1, sem1).wait()
        a = process(buf1, a)

        @pl.when(t < npair - 1)
        def _():
            copy(k0 + 3, buf1, sem1).start()

        return a

    acc = lax.fori_loop(0, npair, pair_body, jnp.zeros((_L,), jnp.float32))

    obuf[...] = acc
    pltpu.sync_copy(obuf, out_hbm.at[wid])


def _finish_body(m_ref, p_ref, tail_ref, ops_ref, o_ref, *, s_total):
    m = jnp.sum(m_ref[...], axis=0, keepdims=True)
    tail = (tail_ref[...] < p_ref[...]).astype(jnp.float32)
    m = m + jnp.sum(tail, axis=0, keepdims=True)
    v = s_total - 2.0 * m
    o_ref[...] = jnp.sum(ops_ref[...] * v, axis=1, keepdims=True) * (1.0 / s_total)


def kernel(logits, uniforms, ops):
    s_total, n_bits = uniforms.shape
    num_ops = ops.shape[0]
    rpw = (s_total // (8 * _NW)) * 8
    main_rows = rpw * _NW
    tail_rows = s_total - main_rows
    chunk_rows = 504
    assert rpw % chunk_rows == 0 and chunk_rows % 8 == 0
    assert (rpw // chunk_rows) % 2 == 0

    probs = jax.nn.sigmoid(logits)
    u_tail = lax.slice(uniforms, (main_rows, 0), (s_total, n_bits))

    mesh = plsc.VectorSubcoreMesh(
        core_axis_name="c", subcore_axis_name="s",
        num_cores=_NC, num_subcores=_NS)
    sc_fn = pl.kernel(
        functools.partial(_sc_count_body,
                          rows_per_worker=rpw, chunk_rows=chunk_rows),
        out_type=jax.ShapeDtypeStruct((_NW, _L), jnp.float32),
        mesh=mesh,
        scratch_types=[
            pltpu.VMEM((_L,), jnp.float32),
            pltpu.VMEM((chunk_rows, _L), jnp.float32),
            pltpu.VMEM((chunk_rows, _L), jnp.float32),
            pltpu.VMEM((_L,), jnp.float32),
            pltpu.SemaphoreType.DMA,
            pltpu.SemaphoreType.DMA,
        ],
        compiler_params=pltpu.CompilerParams(
            use_tc_tiling_on_sc=False, needs_layout_passes=False),
    )
    m32 = sc_fn(probs, uniforms)

    out = pl.pallas_call(
        functools.partial(_finish_body, s_total=float(s_total)),
        out_shape=jax.ShapeDtypeStruct((num_ops, 1), jnp.float32),
    )(m32, probs.reshape(1, n_bits), u_tail, ops)
    return out.reshape(num_ops)

# --- scband reference (transcript-rebuilt; emitter-appended) ---
"""Pipeline reference for scband-qhbm-18683107737801 (READ-ONLY COPY).

The authoritative reference and input builder live on the scoring server;
editing this copy changes nothing except your own understanding.
"""

import jax, jax.numpy as jnp
import numpy as np

N_BITS = 16
NUM_OPS = 64
NUM_SAMPLES = 1000000


def setup_inputs(seed: int = 0) -> dict:
    key = jax.random.key(seed)
    k1, k2, k3 = jax.random.split(key, 3)
    logits = jax.random.normal(k1, (N_BITS,), dtype=jnp.float32)
    uniforms = jax.random.uniform(k2, (NUM_SAMPLES, N_BITS), dtype=jnp.float32)
    ops = jax.random.normal(k3, (NUM_OPS, N_BITS), dtype=jnp.float32)
    return {"logits": logits, "uniforms": uniforms, "ops": ops}


def reference(logits, uniforms, ops):
    # --- e_inference.infer(model.energy) + e_inference.sample(num_samples) ---
    # Bernoulli energy model: independent per-bit Bernoulli parameterized by logits.
    probs = jax.nn.sigmoid(logits)
    samples = (uniforms < probs[None, :]).astype(jnp.int32)  # [S, n_bits] bitstrings

    # --- util.unique_bitstrings_with_counts(samples) ---
    # Encode each bitstring as an integer code and histogram with scatter-add.
    powers = (2 ** jnp.arange(N_BITS, dtype=jnp.int32))
    codes = (samples * powers[None, :]).sum(axis=1)  # [S]
    counts = jnp.bincount(codes, length=2 ** N_BITS).astype(jnp.float32)  # [2^n]

    # --- q_inference.expectation over operator shards (PauliMixin-style Z ops) ---
    # Decode every unique bitstring code, map to spins, evaluate each Z-operator shard.
    all_codes = jnp.arange(2 ** N_BITS, dtype=jnp.int32)
    bits = (all_codes[:, None] >> jnp.arange(N_BITS, dtype=jnp.int32)[None, :]) & 1
    spins = 1.0 - 2.0 * bits.astype(jnp.float32)  # [2^n, n_bits]
    shard_exp = spins @ ops.T  # [2^n, num_ops] per-bitstring operator expectations

    # --- reduce=True: count-weighted average over sampled bitstrings ---
    expectation = (counts[:, None] * shard_exp).sum(axis=0) / float(NUM_SAMPLES)
    return expectation  # [num_ops]

if __name__ == "__main__":
    import jax
    _d = setup_inputs()
    print(jax.jit(kernel)(*tuple(_d.values())))

</pallas_src>

<mosaic_0001>
#map = affine_map<(d0, d1) -> (0)>
#map1 = affine_map<(d0, d1) -> (0, 0)>
module attributes {stable_mosaic.version = 14 : i64} {
  func.func @_sc_count_body(%arg0: i32, %arg1: i32, %arg2: memref<16xf32, #tpu.memory_space<hbm>>, %arg3: memref<1000000x16xf32, #tpu.memory_space<hbm>>, %arg4: memref<32x16xf32, #tpu.memory_space<hbm>>, %arg5: memref<16xf32, #tpu.memory_space<vmem>>, %arg6: memref<504x16xf32, #tpu.memory_space<vmem>>, %arg7: memref<504x16xf32, #tpu.memory_space<vmem>>, %arg8: memref<16xf32, #tpu.memory_space<vmem>>, %arg9: memref<!tpu.dma_semaphore, #tpu.memory_space<semaphore_mem>>, %arg10: memref<!tpu.dma_semaphore, #tpu.memory_space<semaphore_mem>>) attributes {dimension_semantics = [#tpu.dimension_semantics<core_parallel>, #tpu.dimension_semantics<subcore_parallel>], iteration_bounds = array<i64: 2, 16>, scalar_prefetch = 0 : i64, scratch_operands = 6 : i64, tpu.core_type = #tpu.core_type<sc_vector_subcore>, window_params = [{transform_indices = #map}, {transform_indices = #map1}, {transform_indices = #map1}]} {
    %mul3A = arith.constant 2 : i32
    %mul3A_0 = arith.muli %arg1, %mul3A : i32
    %add3A = arith.addi %mul3A_0, %arg0 : i32
    %mul3A_1 = arith.constant 31248 : i32
    %mul3A_2 = arith.muli %add3A, %mul3A_1 : i32
    %multiple_of3A = tpu.assume_multiple %mul3A_2, 8 : i32
    "tpu.region"() ({
      %run_scoped3A = tpu.sem_alloc : memref<!tpu.dma_semaphore, #tpu.memory_space<semaphore_mem>>
      tpu.enqueue_dma source(%arg2 : memref<16xf32, #tpu.memory_space<hbm>>) target(%arg5 : memref<16xf32, #tpu.memory_space<vmem>>) target_semaphore(%run_scoped3A : memref<!tpu.dma_semaphore, #tpu.memory_space<semaphore_mem>>)
      tpu.wait_dma2 semaphore(%run_scoped3A : memref<!tpu.dma_semaphore, #tpu.memory_space<semaphore_mem>>) src(%arg2 : memref<16xf32, #tpu.memory_space<hbm>>) dst(%arg5 : memref<16xf32, #tpu.memory_space<vmem>>)
      tpu.yield
    }) : () -> ()
    %get3A = arith.constant 0 : index
    %get3A_3 = tpu.vector_load %arg5[%get3A] {strides = array<i32>} : memref<16xf32, #tpu.memory_space<vmem>>, vector<16xf32>,
    %add3A_4 = arith.constant 0 : i32
    %add3A_5 = arith.addi %multiple_of3A, %add3A_4 : i32
    %dma_start3A = arith.constant 0 : i32
    %dma_start3A_6 = tpu.memref_slice %arg3[%add3A_5, %dma_start3A] : memref<1000000x16xf32, #tpu.memory_space<hbm>> -> memref<504x16xf32, #tpu.memory_space<hbm>>
    %dma_start3A_7 = arith.constant 0 : i32
    %dma_start3A_8 = tpu.memref_slice %arg3[%add3A_5, %dma_start3A_7] : memref<1000000x16xf32, #tpu.memory_space<hbm>> -> memref<504x16xf32, #tpu.memory_space<hbm>>
    tpu.enqueue_dma source(%dma_start3A_8 : memref<504x16xf32, #tpu.memory_space<hbm>>) target(%arg6 : memref<504x16xf32, #tpu.memory_space<vmem>>) target_semaphore(%arg9 : memref<!tpu.dma_semaphore, #tpu.memory_space<semaphore_mem>>)
    %add3A_9 = arith.constant 504 : i32
    %add3A_10 = arith.addi %multiple_of3A, %add3A_9 : i32
    %dma_start3A_11 = arith.constant 0 : i32
    %dma_start3A_12 = tpu.memref_slice %arg3[%add3A_10, %dma_start3A_11] : memref<1000000x16xf32, #tpu.memory_space<hbm>> -> memref<504x16xf32, #tpu.memory_space<hbm>>
    %dma_start3A_13 = arith.constant 0 : i32
    %dma_start3A_14 = tpu.memref_slice %arg3[%add3A_10, %dma_start3A_13] : memref<1000000x16xf32, #tpu.memory_space<hbm>> -> memref<504x16xf32, #tpu.memory_space<hbm>>
    tpu.enqueue_dma source(%dma_start3A_14 : memref<504x16xf32, #tpu.memory_space<hbm>>) target(%arg7 : memref<504x16xf32, #tpu.memory_space<vmem>>) target_semaphore(%arg10 : memref<!tpu.dma_semaphore, #tpu.memory_space<semaphore_mem>>)
    %broadcast_in_dim3A = arith.constant 0.000000e+00 : f32
    %broadcast_in_dim3A_15 = vector.broadcast %broadcast_in_dim3A : f32 to vector<16xf32>
    %scan3A = arith.constant 0 : i32
    %scan3A_16 = arith.constant 31 : i32
    %scan3A_17 = arith.addi %scan3A, %scan3A_16 : i32
    %scan3A_18 = arith.constant 1 : i32
    %scan3A_19 = scf.for %scan3A_22 = %scan3A to %scan3A_17 step %scan3A_18 iter_args(%scan3A_23 = %broadcast_in_dim3A_15) -> (vector<16xf32>)  : i32 {
      %mul3A_24 = arith.constant 2 : i32
      %mul3A_25 = arith.muli %mul3A_24, %scan3A_22 : i32
      %mul3A_26 = arith.constant 504 : i32
      %mul3A_27 = arith.muli %mul3A_25, %mul3A_26 : i32
      %add3A_28 = arith.addi %multiple_of3A, %mul3A_27 : i32
      %dma_wait3A = arith.constant 0 : i32
      %dma_wait3A_29 = tpu.memref_slice %arg3[%add3A_28, %dma_wait3A] : memref<1000000x16xf32, #tpu.memory_space<hbm>> -> memref<504x16xf32, #tpu.memory_space<hbm>>
      %dma_wait3A_30 = arith.constant 0 : i32
      %dma_wait3A_31 = tpu.memref_slice %arg3[%add3A_28, %dma_wait3A_30] : memref<1000000x16xf32, #tpu.memory_space<hbm>> -> memref<504x16xf32, #tpu.memory_space<hbm>>
      tpu.wait_dma2 semaphore(%arg9 : memref<!tpu.dma_semaphore, #tpu.memory_space<semaphore_mem>>) src(%dma_wait3A_31 : memref<504x16xf32, #tpu.memory_space<hbm>>) dst(%arg6 : memref<504x16xf32, #tpu.memory_space<vmem>>)
      %scan3A_32 = arith.constant 0 : i32
      %scan3A_33 = arith.constant 504 : i32
      %scan3A_34 = arith.addi %scan3A_32, %scan3A_33 : i32
      %scan3A_35 = arith.constant 8 : i32
      %scan3A_36 = scf.for %scan3A_60 = %scan3A_32 to %scan3A_34 step %scan3A_35 iter_args(%scan3A_61 = %scan3A_23) -> (vector<16xf32>)  : i32 {
        %get3A_62 = arith.index_cast %scan3A_60 : i32 to index
        %get3A_63 = arith.constant 0 : index
        %get3A_64 = tpu.vector_load %arg6[%get3A_62, %get3A_63] {strides = array<i32>} : memref<504x16xf32, #tpu.memory_space<vmem>>, vector<16xf32>,
        %lt3A_65 = arith.cmpf olt, %get3A_64, %get3A_3 : vector<16xf32>
        %jit3A = arith.constant 1.000000e+00 : f32
        %jit3A_66 = arith.constant 0.000000e+00 : f32
        %broadcast_in_dim3A_67 = vector.broadcast %jit3A : f32 to vector<16xf32>
        %broadcast_in_dim3A_68 = vector.broadcast %jit3A_66 : f32 to vector<16xf32>
        %select_n3A = arith.select %lt3A_65, %broadcast_in_dim3A_67, %broadcast_in_dim3A_68 : vector<16xi1>, vector<16xf32>
        %add3A_69 = arith.addf %scan3A_61, %select_n3A : vector<16xf32>
        %scan3A_70 = arith.constant 1 : i32
        %scan3A_71 = arith.addi %scan3A_60, %scan3A_70 : i32
        %get3A_72 = arith.index_cast %scan3A_71 : i32 to index
        %get3A_73 = arith.constant 0 : index
        %get3A_74 = tpu.vector_load %arg6[%get3A_72, %get3A_73] {strides = array<i32>} : memref<504x16xf32, #tpu.memory_space<vmem>>, vector<16xf32>,
        %lt3A_75 = arith.cmpf olt, %get3A_74, %get3A_3 : vector<16xf32>
        %jit3A_76 = arith.constant 1.000000e+00 : f32
        %jit3A_77 = arith.constant 0.000000e+00 : f32
        %broadcast_in_dim3A_78 = vector.broadcast %jit3A_76 : f32 to vector<16xf32>
        %broadcast_in_dim3A_79 = vector.broadcast %jit3A_77 : f32 to vector<16xf32>
        %select_n3A_80 = arith.select %lt3A_75, %broadcast_in_dim3A_78, %broadcast_in_dim3A_79 : vector<16xi1>, vector<16xf32>
        %add3A_81 = arith.addf %add3A_69, %select_n3A_80 : vector<16xf32>
        %scan3A_82 = arith.constant 2 : i32
        %scan3A_83 = arith.addi %scan3A_60, %scan3A_82 : i32
        %get3A_84 = arith.index_cast %scan3A_83 : i32 to index
        %get3A_85 = arith.constant 0 : index
        %get3A_86 = tpu.vector_load %arg6[%get3A_84, %get3A_85] {strides = array<i32>} : memref<504x16xf32, #tpu.memory_space<vmem>>, vector<16xf32>,
        %lt3A_87 = arith.cmpf olt, %get3A_86, %get3A_3 : vector<16xf32>
        %jit3A_88 = arith.constant 1.000000e+00 : f32
        %jit3A_89 = arith.constant 0.000000e+00 : f32
        %broadcast_in_dim3A_90 = vector.broadcast %jit3A_88 : f32 to vector<16xf32>
        %broadcast_in_dim3A_91 = vector.broadcast %jit3A_89 : f32 to vector<16xf32>
        %select_n3A_92 = arith.select %lt3A_87, %broadcast_in_dim3A_90, %broadcast_in_dim3A_91 : vector<16xi1>, vector<16xf32>
        %add3A_93 = arith.addf %add3A_81, %select_n3A_92 : vector<16xf32>
        %scan3A_94 = arith.constant 3 : i32
        %scan3A_95 = arith.addi %scan3A_60, %scan3A_94 : i32
        %get3A_96 = arith.index_cast %scan3A_95 : i32 to index
        %get3A_97 = arith.constant 0 : index
        %get3A_98 = tpu.vector_load %arg6[%get3A_96, %get3A_97] {strides = array<i32>} : memref<504x16xf32, #tpu.memory_space<vmem>>, vector<16xf32>,
        %lt3A_99 = arith.cmpf olt, %get3A_98, %get3A_3 : vector<16xf32>
        %jit3A_100 = arith.constant 1.000000e+00 : f32
        %jit3A_101 = arith.constant 0.000000e+00 : f32
        %broadcast_in_dim3A_102 = vector.broadcast %jit3A_100 : f32 to vector<16xf32>
        %broadcast_in_dim3A_103 = vector.broadcast %jit3A_101 : f32 to vector<16xf32>
        %select_n3A_104 = arith.select %lt3A_99, %broadcast_in_dim3A_102, %broadcast_in_dim3A_103 : vector<16xi1>, vector<16xf32>
        %add3A_105 = arith.addf %add3A_93, %select_n3A_104 : vector<16xf32>
        %scan3A_106 = arith.constant 4 : i32
        %scan3A_107 = arith.addi %scan3A_60, %scan3A_106 : i32
        %get3A_108 = arith.index_cast %scan3A_107 : i32 to index
        %get3A_109 = arith.constant 0 : index
        %get3A_110 = tpu.vector_load %arg6[%get3A_108, %get3A_109] {strides = array<i32>} : memref<504x16xf32, #tpu.memory_space<vmem>>, vector<16xf32>,
        %lt3A_111 = arith.cmpf olt, %get3A_110, %get3A_3 : vector<16xf32>
        %jit3A_112 = arith.constant 1.000000e+00 : f32
        %jit3A_113 = arith.constant 0.000000e+00 : f32
        %broadcast_in_dim3A_114 = vector.broadcast %jit3A_112 : f32 to vector<16xf32>
        %broadcast_in_dim3A_115 = vector.broadcast %jit3A_113 : f32 to vector<16xf32>
        %select_n3A_116 = arith.select %lt3A_111, %broadcast_in_dim3A_114, %broadcast_in_dim3A_115 : vector<16xi1>, vector<16xf32>
        %add3A_117 = arith.addf %add3A_105, %select_n3A_116 : vector<16xf32>
        %scan3A_118 = arith.constant 5 : i32
        %scan3A_119 = arith.addi %scan3A_60, %scan3A_118 : i32
        %get3A_120 = arith.index_cast %scan3A_119 : i32 to index
        %get3A_121 = arith.constant 0 : index
        %get3A_122 = tpu.vector_load %arg6[%get3A_120, %get3A_121] {strides = array<i32>} : memref<504x16xf32, #tpu.memory_space<vmem>>, vector<16xf32>,
        %lt3A_123 = arith.cmpf olt, %get3A_122, %get3A_3 : vector<16xf32>
        %jit3A_124 = arith.constant 1.000000e+00 : f32
        %jit3A_125 = arith.constant 0.000000e+00 : f32
        %broadcast_in_dim3A_126 = vector.broadcast %jit3A_124 : f32 to vector<16xf32>
        %broadcast_in_dim3A_127 = vector.broadcast %jit3A_125 : f32 to vector<16xf32>
        %select_n3A_128 = arith.select %lt3A_123, %broadcast_in_dim3A_126, %broadcast_in_dim3A_127 : vector<16xi1>, vector<16xf32>
        %add3A_129 = arith.addf %add3A_117, %select_n3A_128 : vector<16xf32>
        %scan3A_130 = arith.constant 6 : i32
        %scan3A_131 = arith.addi %scan3A_60, %scan3A_130 : i32
        %get3A_132 = arith.index_cast %scan3A_131 : i32 to index
        %get3A_133 = arith.constant 0 : index
        %get3A_134 = tpu.vector_load %arg6[%get3A_132, %get3A_133] {strides = array<i32>} : memref<504x16xf32, #tpu.memory_space<vmem>>, vector<16xf32>,
        %lt3A_135 = arith.cmpf olt, %get3A_134, %get3A_3 : vector<16xf32>
        %jit3A_136 = arith.constant 1.000000e+00 : f32
        %jit3A_137 = arith.constant 0.000000e+00 : f32
        %broadcast_in_dim3A_138 = vector.broadcast %jit3A_136 : f32 to vector<16xf32>
        %broadcast_in_dim3A_139 = vector.broadcast %jit3A_137 : f32 to vector<16xf32>
        %select_n3A_140 = arith.select %lt3A_135, %broadcast_in_dim3A_138, %broadcast_in_dim3A_139 : vector<16xi1>, vector<16xf32>
        %add3A_141 = arith.addf %add3A_129, %select_n3A_140 : vector<16xf32>
        %scan3A_142 = arith.constant 7 : i32
        %scan3A_143 = arith.addi %scan3A_60, %scan3A_142 : i32
        %get3A_144 = arith.index_cast %scan3A_143 : i32 to index
        %get3A_145 = arith.constant 0 : index
        %get3A_146 = tpu.vector_load %arg6[%get3A_144, %get3A_145] {strides = array<i32>} : memref<504x16xf32, #tpu.memory_space<vmem>>, vector<16xf32>,
        %lt3A_147 = arith.cmpf olt, %get3A_146, %get3A_3 : vector<16xf32>
        %jit3A_148 = arith.constant 1.000000e+00 : f32
        %jit3A_149 = arith.constant 0.000000e+00 : f32
        %broadcast_in_dim3A_150 = vector.broadcast %jit3A_148 : f32 to vector<16xf32>
        %broadcast_in_dim3A_151 = vector.broadcast %jit3A_149 : f32 to vector<16xf32>
        %select_n3A_152 = arith.select %lt3A_147, %broadcast_in_dim3A_150, %broadcast_in_dim3A_151 : vector<16xi1>, vector<16xf32>
        %add3A_153 = arith.addf %add3A_141, %select_n3A_152 : vector<16xf32>
        scf.yield %add3A_153 : vector<16xf32>
      }
      %scan3A_37 = arith.constant 504 : i32
      %lt3A = arith.constant 30 : i32
      %lt3A_38 = arith.cmpi slt, %scan3A_22, %lt3A : i32
      %convert_element_type3A = arith.extui %lt3A_38 : i1 to i32
      %cond3A = arith.constant 0 : i32
      %cond3A_39 = arith.cmpi ne, %convert_element_type3A, %cond3A : i32
      scf.if %cond3A_39 {
        %add3A_60 = arith.constant 2 : i32
        %add3A_61 = arith.addi %mul3A_25, %add3A_60 : i32
        %mul3A_62 = arith.constant 504 : i32
        %mul3A_63 = arith.muli %add3A_61, %mul3A_62 : i32
        %add3A_64 = arith.addi %multiple_of3A, %mul3A_63 : i32
        %dma_start3A_65 = arith.constant 0 : i32
        %dma_start3A_66 = tpu.memref_slice %arg3[%add3A_64, %dma_start3A_65] : memref<1000000x16xf32, #tpu.memory_space<hbm>> -> memref<504x16xf32, #tpu.memory_space<hbm>>
        %dma_start3A_67 = arith.constant 0 : i32
        %dma_start3A_68 = tpu.memref_slice %arg3[%add3A_64, %dma_start3A_67] : memref<1000000x16xf32, #tpu.memory_space<hbm>> -> memref<504x16xf32, #tpu.memory_space<hbm>>
        tpu.enqueue_dma source(%dma_start3A_68 : memref<504x16xf32, #tpu.memory_space<hbm>>) target(%arg6 : memref<504x16xf32, #tpu.memory_space<vmem>>) target_semaphore(%arg9 : memref<!tpu.dma_semaphore, #tpu.memory_space<semaphore_mem>>)
      } else {
      }
      %add3A_40 = arith.constant 1 : i32
      %add3A_41 = arith.addi %mul3A_25, %add3A_40 : i32
      %mul3A_42 = arith.constant 504 : i32
      %mul3A_43 = arith.muli %add3A_41, %mul3A_42 : i32
      %add3A_44 = arith.addi %multiple_of3A, %mul3A_43 : i32
      %dma_wait3A_45 = arith.constant 0 : i32
      %dma_wait3A_46 = tpu.memref_slice %arg3[%add3A_44, %dma_wait3A_45] : memref<1000000x16xf32, #tpu.memory_space<hbm>> -> memref<504x16xf32, #tpu.memory_space<hbm>>
      %dma_wait3A_47 = arith.constant 0 : i32
      %dma_wait3A_48 = tpu.memref_slice %arg3[%add3A_44, %dma_wait3A_47] : memref<1000000x16xf32, #tpu.memory_space<hbm>> -> memref<504x16xf32, #tpu.memory_space<hbm>>
      tpu.wait_dma2 semaphore(%arg10 : memref<!tpu.dma_semaphore, #tpu.memory_space<semaphore_mem>>) src(%dma_wait3A_48 : memref<504x16xf32, #tpu.memory_space<hbm>>) dst(%arg7 : memref<504x16xf32, #tpu.memory_space<vmem>>)
      %scan3A_49 = arith.constant 0 : i32
      %scan3A_50 = arith.constant 504 : i32
      %scan3A_51 = arith.addi %scan3A_49, %scan3A_50 : i32
      %scan3A_52 = arith.constant 8 : i32
      %scan3A_53 = scf.for %scan3A_60 = %scan3A_49 to %scan3A_51 step %scan3A_52 iter_args(%scan3A_61 = %scan3A_36) -> (vector<16xf32>)  : i32 {
        %get3A_62 = arith.index_cast %scan3A_60 : i32 to index
        %get3A_63 = arith.constant 0 : index
        %get3A_64 = tpu.vector_load %arg7[%get3A_62, %get3A_63] {strides = array<i32>} : memref<504x16xf32, #tpu.memory_space<vmem>>, vector<16xf32>,
        %lt3A_65 = arith.cmpf olt, %get3A_64, %get3A_3 : vector<16xf32>
        %jit3A = arith.constant 1.000000e+00 : f32
        %jit3A_66 = arith.constant 0.000000e+00 : f32
        %broadcast_in_dim3A_67 = vector.broadcast %jit3A : f32 to vector<16xf32>
        %broadcast_in_dim3A_68 = vector.broadcast %jit3A_66 : f32 to vector<16xf32>
        %select_n3A = arith.select %lt3A_65, %broadcast_in_dim3A_67, %broadcast_in_dim3A_68 : vector<16xi1>, vector<16xf32>
        %add3A_69 = arith.addf %scan3A_61, %select_n3A : vector<16xf32>
        %scan3A_70 = arith.constant 1 : i32
        %scan3A_71 = arith.addi %scan3A_60, %scan3A_70 : i32
        %get3A_72 = arith.index_cast %scan3A_71 : i32 to index
        %get3A_73 = arith.constant 0 : index
        %get3A_74 = tpu.vector_load %arg7[%get3A_72, %get3A_73] {strides = array<i32>} : memref<504x16xf32, #tpu.memory_space<vmem>>, vector<16xf32>,
        %lt3A_75 = arith.cmpf olt, %get3A_74, %get3A_3 : vector<16xf32>
        %jit3A_76 = arith.constant 1.000000e+00 : f32
        %jit3A_77 = arith.constant 0.000000e+00 : f32
        %broadcast_in_dim3A_78 = vector.broadcast %jit3A_76 : f32 to vector<16xf32>
        %broadcast_in_dim3A_79 = vector.broadcast %jit3A_77 : f32 to vector<16xf32>
        %select_n3A_80 = arith.select %lt3A_75, %broadcast_in_dim3A_78, %broadcast_in_dim3A_79 : vector<16xi1>, vector<16xf32>
        %add3A_81 = arith.addf %add3A_69, %select_n3A_80 : vector<16xf32>
        %scan3A_82 = arith.constant 2 : i32
        %scan3A_83 = arith.addi %scan3A_60, %scan3A_82 : i32
        %get3A_84 = arith.index_cast %scan3A_83 : i32 to index
        %get3A_85 = arith.constant 0 : index
        %get3A_86 = tpu.vector_load %arg7[%get3A_84, %get3A_85] {strides = array<i32>} : memref<504x16xf32, #tpu.memory_space<vmem>>, vector<16xf32>,
        %lt3A_87 = arith.cmpf olt, %get3A_86, %get3A_3 : vector<16xf32>
        %jit3A_88 = arith.constant 1.000000e+00 : f32
        %jit3A_89 = arith.constant 0.000000e+00 : f32
        %broadcast_in_dim3A_90 = vector.broadcast %jit3A_88 : f32 to vector<16xf32>
        %broadcast_in_dim3A_91 = vector.broadcast %jit3A_89 : f32 to vector<16xf32>
        %select_n3A_92 = arith.select %lt3A_87, %broadcast_in_dim3A_90, %broadcast_in_dim3A_91 : vector<16xi1>, vector<16xf32>
        %add3A_93 = arith.addf %add3A_81, %select_n3A_92 : vector<16xf32>
        %scan3A_94 = arith.constant 3 : i32
        %scan3A_95 = arith.addi %scan3A_60, %scan3A_94 : i32
        %get3A_96 = arith.index_cast %scan3A_95 : i32 to index
        %get3A_97 = arith.constant 0 : index
        %get3A_98 = tpu.vector_load %arg7[%get3A_96, %get3A_97] {strides = array<i32>} : memref<504x16xf32, #tpu.memory_space<vmem>>, vector<16xf32>,
        %lt3A_99 = arith.cmpf olt, %get3A_98, %get3A_3 : vector<16xf32>
        %jit3A_100 = arith.constant 1.000000e+00 : f32
        %jit3A_101 = arith.constant 0.000000e+00 : f32
        %broadcast_in_dim3A_102 = vector.broadcast %jit3A_100 : f32 to vector<16xf32>
        %broadcast_in_dim3A_103 = vector.broadcast %jit3A_101 : f32 to vector<16xf32>
        %select_n3A_104 = arith.select %lt3A_99, %broadcast_in_dim3A_102, %broadcast_in_dim3A_103 : vector<16xi1>, vector<16xf32>
        %add3A_105 = arith.addf %add3A_93, %select_n3A_104 : vector<16xf32>
        %scan3A_106 = arith.constant 4 : i32
        %scan3A_107 = arith.addi %scan3A_60, %scan3A_106 : i32
        %get3A_108 = arith.index_cast %scan3A_107 : i32 to index
        %get3A_109 = arith.constant 0 : index
        %get3A_110 = tpu.vector_load %arg7[%get3A_108, %get3A_109] {strides = array<i32>} : memref<504x16xf32, #tpu.memory_space<vmem>>, vector<16xf32>,
        %lt3A_111 = arith.cmpf olt, %get3A_110, %get3A_3 : vector<16xf32>
        %jit3A_112 = arith.constant 1.000000e+00 : f32
        %jit3A_113 = arith.constant 0.000000e+00 : f32
        %broadcast_in_dim3A_114 = vector.broadcast %jit3A_112 : f32 to vector<16xf32>
        %broadcast_in_dim3A_115 = vector.broadcast %jit3A_113 : f32 to vector<16xf32>
        %select_n3A_116 = arith.select %lt3A_111, %broadcast_in_dim3A_114, %broadcast_in_dim3A_115 : vector<16xi1>, vector<16xf32>
        %add3A_117 = arith.addf %add3A_105, %select_n3A_116 : vector<16xf32>
        %scan3A_118 = arith.constant 5 : i32
        %scan3A_119 = arith.addi %scan3A_60, %scan3A_118 : i32
        %get3A_120 = arith.index_cast %scan3A_119 : i32 to index
        %get3A_121 = arith.constant 0 : index
        %get3A_122 = tpu.vector_load %arg7[%get3A_120, %get3A_121] {strides = array<i32>} : memref<504x16xf32, #tpu.memory_space<vmem>>, vector<16xf32>,
        %lt3A_123 = arith.cmpf olt, %get3A_122, %get3A_3 : vector<16xf32>
        %jit3A_124 = arith.constant 1.000000e+00 : f32
        %jit3A_125 = arith.constant 0.000000e+00 : f32
        %broadcast_in_dim3A_126 = vector.broadcast %jit3A_124 : f32 to vector<16xf32>
        %broadcast_in_dim3A_127 = vector.broadcast %jit3A_125 : f32 to vector<16xf32>
        %select_n3A_128 = arith.select %lt3A_123, %broadcast_in_dim3A_126, %broadcast_in_dim3A_127 : vector<16xi1>, vector<16xf32>
        %add3A_129 = arith.addf %add3A_117, %select_n3A_128 : vector<16xf32>
        %scan3A_130 = arith.constant 6 : i32
        %scan3A_131 = arith.addi %scan3A_60, %scan3A_130 : i32
        %get3A_132 = arith.index_cast %scan3A_131 : i32 to index
        %get3A_133 = arith.constant 0 : index
        %get3A_134 = tpu.vector_load %arg7[%get3A_132, %get3A_133] {strides = array<i32>} : memref<504x16xf32, #tpu.memory_space<vmem>>, vector<16xf32>,
        %lt3A_135 = arith.cmpf olt, %get3A_134, %get3A_3 : vector<16xf32>
        %jit3A_136 = arith.constant 1.000000e+00 : f32
        %jit3A_137 = arith.constant 0.000000e+00 : f32
        %broadcast_in_dim3A_138 = vector.broadcast %jit3A_136 : f32 to vector<16xf32>
        %broadcast_in_dim3A_139 = vector.broadcast %jit3A_137 : f32 to vector<16xf32>
        %select_n3A_140 = arith.select %lt3A_135, %broadcast_in_dim3A_138, %broadcast_in_dim3A_139 : vector<16xi1>, vector<16xf32>
        %add3A_141 = arith.addf %add3A_129, %select_n3A_140 : vector<16xf32>
        %scan3A_142 = arith.constant 7 : i32
        %scan3A_143 = arith.addi %scan3A_60, %scan3A_142 : i32
        %get3A_144 = arith.index_cast %scan3A_143 : i32 to index
        %get3A_145 = arith.constant 0 : index
        %get3A_146 = tpu.vector_load %arg7[%get3A_144, %get3A_145] {strides = array<i32>} : memref<504x16xf32, #tpu.memory_space<vmem>>, vector<16xf32>,
        %lt3A_147 = arith.cmpf olt, %get3A_146, %get3A_3 : vector<16xf32>
        %jit3A_148 = arith.constant 1.000000e+00 : f32
        %jit3A_149 = arith.constant 0.000000e+00 : f32
        %broadcast_in_dim3A_150 = vector.broadcast %jit3A_148 : f32 to vector<16xf32>
        %broadcast_in_dim3A_151 = vector.broadcast %jit3A_149 : f32 to vector<16xf32>
        %select_n3A_152 = arith.select %lt3A_147, %broadcast_in_dim3A_150, %broadcast_in_dim3A_151 : vector<16xi1>, vector<16xf32>
        %add3A_153 = arith.addf %add3A_141, %select_n3A_152 : vector<16xf32>
        scf.yield %add3A_153 : vector<16xf32>
      }
      %scan3A_54 = arith.constant 504 : i32
      %lt3A_55 = arith.constant 30 : i32
      %lt3A_56 = arith.cmpi slt, %scan3A_22, %lt3A_55 : i32
      %convert_element_type3A_57 = arith.extui %lt3A_56 : i1 to i32
      %cond3A_58 = arith.constant 0 : i32
      %cond3A_59 = arith.cmpi ne, %convert_element_type3A_57, %cond3A_58 : i32
      scf.if %cond3A_59 {
        %add3A_60 = arith.constant 3 : i32
        %add3A_61 = arith.addi %mul3A_25, %add3A_60 : i32
        %mul3A_62 = arith.constant 504 : i32
        %mul3A_63 = arith.muli %add3A_61, %mul3A_62 : i32
        %add3A_64 = arith.addi %multiple_of3A, %mul3A_63 : i32
        %dma_start3A_65 = arith.constant 0 : i32
        %dma_start3A_66 = tpu.memref_slice %arg3[%add3A_64, %dma_start3A_65] : memref<1000000x16xf32, #tpu.memory_space<hbm>> -> memref<504x16xf32, #tpu.memory_space<hbm>>
        %dma_start3A_67 = arith.constant 0 : i32
        %dma_start3A_68 = tpu.memref_slice %arg3[%add3A_64, %dma_start3A_67] : memref<1000000x16xf32, #tpu.memory_space<hbm>> -> memref<504x16xf32, #tpu.memory_space<hbm>>
        tpu.enqueue_dma source(%dma_start3A_68 : memref<504x16xf32, #tpu.memory_space<hbm>>) target(%arg7 : memref<504x16xf32, #tpu.memory_space<vmem>>) target_semaphore(%arg10 : memref<!tpu.dma_semaphore, #tpu.memory_space<semaphore_mem>>)
      } else {
      }
      scf.yield %scan3A_53 : vector<16xf32>
    }
    %scan3A_20 = arith.constant 31 : i32
    %swap3A = arith.constant 0 : index
    %swap3A_21 = tpu.vector_load %arg8[%swap3A] {strides = array<i32>} : memref<16xf32, #tpu.memory_space<vmem>>, vector<16xf32>,
    tpu.vector_store %arg8[%swap3A], %scan3A_19 {strides = array<i32>} : memref<16xf32, #tpu.memory_space<vmem>>, vector<16xf32>,
    "tpu.region"() ({
      %run_scoped3A = tpu.sem_alloc : memref<!tpu.dma_semaphore, #tpu.memory_space<semaphore_mem>>
      %dma_start3A_22 = arith.constant 0 : i32
      %dma_start3A_23 = tpu.memref_slice %arg4[%add3A, %dma_start3A_22] : memref<32x16xf32, #tpu.memory_space<hbm>> -> memref<1x16xf32, #tpu.memory_space<hbm>>
      %dma_start3A_24 = tpu.memref_squeeze %dma_start3A_23 : memref<1x16xf32, #tpu.memory_space<hbm>> -> memref<16xf32, #tpu.memory_space<hbm>>
      %dma_start3A_25 = arith.constant 0 : i32
      %dma_start3A_26 = tpu.memref_slice %arg4[%add3A, %dma_start3A_25] : memref<32x16xf32, #tpu.memory_space<hbm>> -> memref<1x16xf32, #tpu.memory_space<hbm>>
      %dma_start3A_27 = tpu.memref_squeeze %dma_start3A_26 : memref<1x16xf32, #tpu.memory_space<hbm>> -> memref<16xf32, #tpu.memory_space<hbm>>
      tpu.enqueue_dma source(%arg8 : memref<16xf32, #tpu.memory_space<vmem>>) target(%dma_start3A_27 : memref<16xf32, #tpu.memory_space<hbm>>) target_semaphore(%run_scoped3A : memref<!tpu.dma_semaphore, #tpu.memory_space<semaphore_mem>>)
      %dma_wait3A = arith.constant 0 : i32
      %dma_wait3A_28 = tpu.memref_slice %arg4[%add3A, %dma_wait3A] : memref<32x16xf32, #tpu.memory_space<hbm>> -> memref<1x16xf32, #tpu.memory_space<hbm>>
      %dma_wait3A_29 = tpu.memref_squeeze %dma_wait3A_28 : memref<1x16xf32, #tpu.memory_space<hbm>> -> memref<16xf32, #tpu.memory_space<hbm>>
      %dma_wait3A_30 = arith.constant 0 : i32
      %dma_wait3A_31 = tpu.memref_slice %arg4[%add3A, %dma_wait3A_30] : memref<32x16xf32, #tpu.memory_space<hbm>> -> memref<1x16xf32, #tpu.memory_space<hbm>>
      %dma_wait3A_32 = tpu.memref_squeeze %dma_wait3A_31 : memref<1x16xf32, #tpu.memory_space<hbm>> -> memref<16xf32, #tpu.memory_space<hbm>>
      tpu.wait_dma2 semaphore(%run_scoped3A : memref<!tpu.dma_semaphore, #tpu.memory_space<semaphore_mem>>) src(%arg8 : memref<16xf32, #tpu.memory_space<vmem>>) dst(%dma_wait3A_32 : memref<16xf32, #tpu.memory_space<hbm>>)
      tpu.yield
    }) : () -> ()
    return
  }
}

module attributes {stable_mosaic.version = 14 : i64} {
  func.func @_finish_body(%arg0: memref<32x16xf32, #tpu.memory_space<vmem>>, %arg1: memref<1x16xf32, #tpu.memory_space<vmem>>, %arg2: memref<64x16xf32, #tpu.memory_space<vmem>>, %arg3: memref<64x16xf32, #tpu.memory_space<vmem>>, %arg4: memref<64x1xf32, #tpu.memory_space<vmem>>) attributes {dimension_semantics = [], scalar_prefetch = 0 : i64, scratch_operands = 0 : i64, tpu.core_type = #tpu.core_type<tc>} {
    %get3A = arith.constant 0 : index
    %get3A_0 = arith.constant 0 : index
    %get3A_1 = vector.load %arg0[%get3A, %get3A_0] : memref<32x16xf32, #tpu.memory_space<vmem>>, vector<32x16xf32>
    %reduce_sum3A = arith.constant dense<0.000000e+00> : vector<16xf32>
    %reduce_sum3A_2 = vector.multi_reduction <add>, %get3A_1, %reduce_sum3A [0] : vector<32x16xf32> to vector<16xf32>
    %broadcast_in_dim3A = vector.shape_cast %reduce_sum3A_2 : vector<16xf32> to vector<1x16xf32>
    %get3A_3 = arith.constant 0 : index
    %get3A_4 = arith.constant 0 : index
    %get3A_5 = vector.load %arg2[%get3A_3, %get3A_4] : memref<64x16xf32, #tpu.memory_space<vmem>>, vector<64x16xf32>
    %get3A_6 = arith.constant 0 : index
    %get3A_7 = arith.constant 0 : index
    %get3A_8 = vector.load %arg1[%get3A_6, %get3A_7] : memref<1x16xf32, #tpu.memory_space<vmem>>, vector<1x16xf32>
    %lt3A = vector.broadcast %get3A_8 : vector<1x16xf32> to vector<64x16xf32>
    %lt3A_9 = arith.cmpf olt, %get3A_5, %lt3A : vector<64x16xf32>
    %convert_element_type3A = arith.extui %lt3A_9 : vector<64x16xi1> to vector<64x16xi32>
    %convert_element_type3A_10 = arith.sitofp %convert_element_type3A : vector<64x16xi32> to vector<64x16xf32>
    %reduce_sum3A_11 = arith.constant dense<0.000000e+00> : vector<16xf32>
    %reduce_sum3A_12 = vector.multi_reduction <add>, %convert_element_type3A_10, %reduce_sum3A_11 [0] : vector<64x16xf32> to vector<16xf32>
    %broadcast_in_dim3A_13 = vector.shape_cast %reduce_sum3A_12 : vector<16xf32> to vector<1x16xf32>
    %add3A = arith.addf %broadcast_in_dim3A, %broadcast_in_dim3A_13 : vector<1x16xf32>
    %mul3A = arith.constant 2.000000e+00 : f32
    %mul3A_14 = vector.broadcast %mul3A : f32 to vector<1x16xf32>
    %mul3A_15 = arith.mulf %mul3A_14, %add3A : vector<1x16xf32>
    %sub3A = arith.constant 1.000000e+06 : f32
    %sub3A_16 = vector.broadcast %sub3A : f32 to vector<1x16xf32>
    %sub3A_17 = arith.subf %sub3A_16, %mul3A_15 : vector<1x16xf32>
    %get3A_18 = arith.constant 0 : index
    %get3A_19 = arith.constant 0 : index
    %get3A_20 = vector.load %arg3[%get3A_18, %get3A_19] : memref<64x16xf32, #tpu.memory_space<vmem>>, vector<64x16xf32>
    %mul3A_21 = vector.broadcast %sub3A_17 : vector<1x16xf32> to vector<64x16xf32>
    %mul3A_22 = arith.mulf %get3A_20, %mul3A_21 : vector<64x16xf32>
    %reduce_sum3A_23 = arith.constant dense<0.000000e+00> : vector<64xf32>
    %reduce_sum3A_24 = vector.multi_reduction <add>, %mul3A_22, %reduce_sum3A_23 [1] : vector<64x16xf32> to vector<64xf32>
    %broadcast_in_dim3A_25 = vector.shape_cast %reduce_sum3A_24 : vector<64xf32> to vector<64x1xf32>
    %mul3A_26 = arith.constant 9.99999997E-7 : f32
    %mul3A_27 = vector.broadcast %mul3A_26 : f32 to vector<64x1xf32>
    %mul3A_28 = arith.mulf %broadcast_in_dim3A_25, %mul3A_27 : vector<64x1xf32>
    %swap3A = arith.constant 0 : index
    %swap3A_29 = arith.constant 0 : index
    %swap3A_30 = vector.load %arg4[%swap3A, %swap3A_29] : memref<64x1xf32, #tpu.memory_space<vmem>>, vector<64x1xf32>
    tpu.vector_store %arg4[%swap3A, %swap3A_29], %mul3A_28 {strides = array<i32>} : memref<64x1xf32, #tpu.memory_space<vmem>>, vector<64x1xf32>,
    return
  }
}

</mosaic_0001>

<sc_bundles>
// kernel: kernel.4.cloned.1.call-start
scs
__scs_entry_jumppad:
0x0: {  	(pc) =	sbr.rel $0x88, $3  }
0x1: {  	(tag) =	ssettag $0x0;
	lr =	simm.s32 $0x1  }
0x2: {  	[smem:$0x3F9E] =	sst lr;
	_ =	strace $0xD0000000  }
0x3: {  	_ = 	snop  }
0x4: {  	_ = 	snop  }
0x5: {  	_ = 	snop  }
0x6: {  	_ = 	snop  }
0x7: {  	_ = 	snop  }
__scs_overlays_trampoline_lowered:
0x8: {  	[smem:$0x3FAD] =	sst s0  }
0x9: {  	[smem:$0x3FAE] =	sst s1  }
0xa: {  	[smem:$0x3FAF] =	sst s2  }
0xb: {  	[smem:$0x3FB0] =	sst s3  }
0xc: {  	[smem:$0x3FB1] =	sst s4  }
0xd: {  	[smem:$0x3FB2] =	sst s5  }
0xe: {  	[smem:$0x3FB3] =	sst s6  }
0xf: {  	[smem:$0x3FB4] =	sst s7  }
0x10: {  	[smem:$0x3FB5] =	sst s8  }
0x11: {  	[smem:$0x3FB6] =	sst s9;
	s0 =	simm.s32 @!p0 $0x0  }
0x12: {  	s1 =	sld [smem:$0x3F9C];
	s0 =	simm.s32 @p0 $0x1  }
0x13: {  	[smem:$0x3FB7] =	sst s0;
	s0 =	simm.s32 @!p1 $0x0  }
0x14: {  	s2 =	sld [smem:$0x3F9B];
	s0 =	simm.s32 @p1 $0x1  }
0x15: {  	[smem:$0x3FB8] =	sst s0;
	s0 =	simm.s32 @!p2 $0x0  }
0x16: {  	s3 =	sld [smem:$0x3FDB];
	s0 =	simm.s32 @p2 $0x1  }
0x17: {  	s4 =	simm.s32 $0x1BF5;
	[smem:$0x3FBA] =	sst s0  }
0x18: {  	s0 =	sld [smem:$0x3F9D];
	_ =	swait.ge [sflag:s4], $0x0  }
0x19: {  	s7 =	sld [smem:$0x3F9E]  }
0x1a: {  	s8 =	sadd.s32 $0xFFFFE003, lr  }
0x1b: {  	s9 =	sadd.s32 $0xFFFFFEF7, lr;
	s5 =	simm.s32 $0xFFFFFFFF;
	p2 =	slt.u32 s8, $0xFFFFF086  }
0x1c: {  	p1 =	slt.u32 s9, $0xF7A;
	s5 =	simm.s32 @!p2 $0x0  }
0x1d: {  	s5 =	simm.s32 @p1 $0x1;
	p0 =	seq.s32 s7, s2  }
0x1e: {  	s7 =	smul.u32 @!p0 $0xF7A, s2;
	p2 =	seq.s32 @!p0 s5, $0x0  }
0x1f: {  	s9 =	smul.u32 $0xF7A, s1;
	s8 =	simm.s32 @!p0 $0x1BF5;
	p2 =	por !p2, p0  }
0x20: {  	[sflag:s8] =	ssyncset.s32 @!p0 $0xFFFFF086;
	s6 =	sadd.s32 @!p0 s3, s7;
	s7 =	simm.s32 @!p0 $0x108  }
0x21: {  	s3 =	sadd.s32 s3, s9;
	s6 =	sadd.s32 @!p0 $0x88, s6;
	s7 =	simm.s32 @p2 $0x1082  }
0x22: {  	[simem:s7], [sflag:s8] =	dma.local @!p0 [hbm:s6], $0xF7A  }
0x23: {  	s9 =	sor.u32 $0xD0000000, s2;
	s6 =	simm.s32 $0x108;
	_ =	swait.ge @!p0 [sflag:s8], $0x0  }
0x24: {  	s3 =	sadd.s32 $0x88, s3;
	s6 =	simm.s32 @!p1 $0x1082;
	[sflag:s4] =	ssyncset.s32 $0xFFFFF086  }
0x25: {  	[simem:s6], [sflag:s4] =	dma.local [hbm:s3], $0xF7A  }
0x26: {  	[smem:$0x3F9E] =	sst s1;
	(tag) =	ssettag s2;
	_ =	strace s9  }
0x27: {  	s1 =	sld [smem:$0x3FAE]  }
0x28: {  	s2 =	sld [smem:$0x3FAF]  }
0x29: {  	s4 =	sld [smem:$0x3FB1]  }
0x2a: {  	p0 =	seq.s32 s5, $0x0;
	s5 =	sld [smem:$0x3FB2]  }
0x2b: {  	s6 =	sld [smem:$0x3FB3]  }
0x2c: {  	s7 =	sld [smem:$0x3FB4]  }
0x2d: {  	s3 =	simm.s32 $0x108;
	s8 =	sld [smem:$0x3FB5]  }
0x2e: {  	s3 =	simm.s32 @!p0 $0x1082;
	s9 =	sld [smem:$0x3FB6]  }
0x2f: {  	lr =	sadd.s32 s0, s3;
	s0 =	sld [smem:$0x3FAD]  }
0x30: {  	s3 =	sld [smem:$0x3FB0]  }
0x31: {  	[smem:$0x3FB9] =	sst s10  }
0x32: {  	s10 =	sld [smem:$0x3FB7];
	_ =	sdelay $0x3  }
0x33: {  	p0 =	seq.s32 s10, $0x1;
	s10 =	sld [smem:$0x3FB9];
	_ =	sdelay $0x3  }
0x34: {  	[smem:$0x3FB9] =	sst s10  }
0x35: {  	s10 =	sld [smem:$0x3FB8];
	_ =	sdelay $0x3  }
0x36: {  	p1 =	seq.s32 s10, $0x1;
	s10 =	sld [smem:$0x3FB9];
	_ =	sdelay $0x3  }
0x37: {  	[smem:$0x3FB9] =	sst s10  }
0x38: {  	s10 =	sld [smem:$0x3FBA]  }
0x39: {  	_ = 	snop;
	(pc) =	sbr.ind lr, $3  }
0x3a: {  	_ = 	snop  }
0x3b: {  	_ = 	snop  }
0x3c: {  	p2 =	seq.s32 s10, $0x1;
	s10 =	sld [smem:$0x3FB9]  }
0x3d: {  	_ =	shalt  }
0x3e: {  	_ =	shalt  }
0x3f: {  	_ =	shalt  }
0x40: {  	_ =	shalt  }
0x41: {  	_ =	shalt  }
0x42: {  	_ =	shalt  }
0x43: {  	_ =	shalt  }
0x44: {  	_ =	shalt  }
0x45: {  	_ =	shalt  }
0x46: {  	_ =	shalt  }
0x47: {  	_ =	shalt  }
0x48: {  	_ =	shalt  }
0x49: {  	_ =	shalt  }
0x4a: {  	_ =	shalt  }
0x4b: {  	_ =	shalt  }
0x4c: {  	_ =	shalt  }
0x4d: {  	_ =	shalt  }
0x4e: {  	_ =	shalt  }
0x4f: {  	_ =	shalt  }
0x50: {  	_ =	shalt  }
0x51: {  	_ =	shalt  }
0x52: {  	_ =	shalt  }
0x53: {  	_ =	shalt  }
0x54: {  	_ =	shalt  }
0x55: {  	_ =	shalt  }
0x56: {  	_ =	shalt  }
0x57: {  	_ =	shalt  }
0x58: {  	_ =	shalt  }
0x59: {  	_ =	shalt  }
0x5a: {  	_ =	shalt  }
0x5b: {  	_ =	shalt  }
0x5c: {  	_ =	shalt  }
0x5d: {  	_ =	shalt  }
0x5e: {  	_ =	shalt  }
0x5f: {  	_ =	shalt  }
0x60: {  	_ =	shalt  }
0x61: {  	_ =	shalt  }
0x62: {  	_ =	shalt  }
0x63: {  	_ =	shalt  }
0x64: {  	_ =	shalt  }
0x65: {  	_ =	shalt  }
0x66: {  	_ =	shalt  }
0x67: {  	_ =	shalt  }
0x68: {  	_ =	shalt  }
0x69: {  	_ =	shalt  }
0x6a: {  	_ =	shalt  }
0x6b: {  	_ =	shalt  }
0x6c: {  	_ =	shalt  }
0x6d: {  	_ =	shalt  }
0x6e: {  	_ =	shalt  }
0x6f: {  	_ =	shalt  }
0x70: {  	_ =	shalt  }
0x71: {  	_ =	shalt  }
0x72: {  	_ =	shalt  }
0x73: {  	_ =	shalt  }
0x74: {  	_ =	shalt  }
0x75: {  	_ =	shalt  }
0x76: {  	_ =	shalt  }
0x77: {  	_ =	shalt  }
0x78: {  	_ =	shalt  }
0x79: {  	_ =	shalt  }
0x7a: {  	_ =	shalt  }
0x7b: {  	_ =	shalt  }
0x7c: {  	_ =	shalt  }
0x7d: {  	_ =	shalt  }
0x7e: {  	_ =	shalt  }
0x7f: {  	_ =	shalt  }
0x80: {  	_ =	shalt  }
0x81: {  	_ =	shalt  }
0x82: {  	_ =	shalt  }
0x83: {  	_ =	shalt  }
0x84: {  	_ =	shalt  }
0x85: {  	_ =	shalt  }
0x86: {  	_ =	shalt  }
0x87: {  	_ =	shalt  }
.Lfunc_end0:
.L_simem_size_0:
called_computation_lowered:
.L_overlay_start_0:
0x88: {  	s2 =	sld [smem:$0x3FD9]  }
0x89: {  	s3 =	sld [smem:$0x3FFE];
	_ =	sdelay $0x1  }
0x8a: {  	s1 =	srdreg.scid  }
0x8b: {  	s0 =	sand.u32 $0x1, s1  }
0x8c: {  	s17 =	sshll.u32 s0, $0xA;
	s2 =	sadd.s32 s3, s2  }
0x8d: {  	s2 =	sadd.s32 s2, s17  }
0x8e: {  	[smem:$0x3FC5] =	sst s2  }
0x8f: {  	_ = 	snop  }
0x90: {  	s2 =	sld [smem:$0x3FD0];
	(tm) =	ssettm $0x1  }
0x91: {  	s18 =	sld [smem:$0x3FFB];
	_ =	sdelay $0x3  }
0x92: {  	_ =	strace s18  }
0x93: {  	s3 =	sld [smem:$0x3FFC];
	_ =	sdelay $0x3  }
0x94: {  	_ =	strace s3  }
0x95: {  	s3 =	sld [smem:$0x3FFD];
	_ =	sdelay $0x3  }
0x96: {  	_ =	strace s3  }
0x97: {  	_ =	strace $0x8FFFFFFF  }
0x98: {  	s19 =	sld [smem:$0x3FDB];
	_ =	sdelay $0x1  }
0x99: {  	s4 =	simm.s32 $_scs_section_size  }
0x9a: {  	s5 =	simm.s32 $_size__tile_overlayer_lowered;
	s6 =	simm.s32 $_tile_overlayer_lowered  }
0x9b: {  	s22 =	simm.s32 $0x1BFF;
	s21 =	sshll.u32 s6, $0x1;
	s3 =	sadd.s32 s4, s19  }
0x9c: {  	s7 =	simm.s32 $0x0;
	s20 =	sshll.u32 s5, $0x1;
	s5 =	sadd.s32 s21, s3  }
0x9d: {  	[timem:s7], [sflag:s22] =	dma.local [hbm:s5], s20  }
0x9e: {  	_ =	swait.ge [sflag:s22], s20  }
0x9f: {  	s4 =	ssub.s32 $0x0, s20;
	[sflag:s22] =	ssyncset.done $0x0  }
0xa0: {  	[sflag:s22] =	ssyncadd.s32 s4;
	_ =	sdelay $0x1  }
0xa1: {  	s23 =	simm.s32 $0x1B8B  }
0xa2: {  	_ =	swait.ge [sflag:s23], $0x1  }
0xa3: {  	[sflag:s23] =	ssyncset.done $0x0  }
0xa4: {  	s25 =	simm.s32 $0x1B8E;
	s24 =	sld [smem:$0x3FFE];
	[sflag:s23] =	ssyncadd.s32 $0xFFFFFFFF  }
0xa5: {  	s26 =	simm.s32 $execute0_lowered;
	[smem:$0x3FD2] =	sst s25  }
0xa6: {  	s5 =	sshll.u32 s26, $0x1;
	_ =	strace $0x80000046;
	[dreg:$0x1] =	wrdreg $0xFFFFFFFF  }
0xa7: {  	s28 =	simm.s32 $_size_execute0_lowered;
	s3 =	sadd.s32 s3, s5;
	[dreg:$0x0] =	wrdreg $0x0  }
0xa8: {  	s5 =	sshll.u32 s28, $0x1;
	[dreg:$0x2] =	wrdreg s3  }
0xa9: {  	[dreg:$0x3] =	wrdreg s5  }
0xaa: {  	[dreg:$0x4] =	wrdreg $0xC0  }
0xab: {  	_ =	task [dreg:s7], $0x5FFFF  }
0xac: {  	[dreg:$0x1] =	wrdreg $0xFFFFFFFF  }
0xad: {  	[dreg:$0x0] =	wrdreg $0x60  }
0xae: {  	[dreg:$0x2] =	wrdreg s2  }
0xaf: {  	[dreg:$0x3] =	wrdreg s24  }
0xb0: {  	[dreg:$0x4] =	wrdreg $0x9  }
0xb1: {  	_ =	task.clear_ibuf [dreg:s7], $0x5FFFF;
	_ =	strace $0x90000046  }
0xb2: {  	s29 =	simm.s32 $0x9;
	_ =	strace $0x80000048  }
0xb3: {  	_ =	swait.ge [sflag:s29], $0x1  }
0xb4: {  	[sflag:s29] =	ssyncadd.s32 $0xFFFFFFFF  }
0xb5: {  	_ =	strace $0x90000048  }
0xb6: {  	_ =	sfence  }
0xb7: {  	s30 =	sld [smem:$0x0];
	_ =	sdelay $0x2  }
0xb8: {  	s31 =	sshll.u32 s1, $0xD;
	s1 =	sshrl.u32 s1, $0x2  }
0xb9: {  	s3 =	sand.u32 $0x4000, s31;
	s1 =	sadd.s32 s1, s30  }
0xba: {  	s0 =	sor.u32 s3, s0;
	s1 =	sshll.u32 s1, $0x11  }
0xbb: {  	s0 =	sor.u32 s1, s0  }
0xbc: {  	s0 =	sadd.s32 $0x8F2B, s0  }
0xbd: {  	[sflag:s0] =	ssyncadd.remote.s32 $0x1  }
0xbe: {  	_ =	sfence.sel $0xFFFF  }
0xbf: {  	[dreg:$0x0] =	wrdreg $0xFFFFFFFF;
	(pc) =	sbr.abs _section_cstart, $3  }
0xc0: {  	[dreg:$0x1] =	wrdreg $0xFFFFFFFF  }
0xc1: {  	_ =	task.clear_ibuf [dreg:s7], $0x2FFFF;
	_ =	strace $0x9FFFFFFF  }
0xc2: {  	(tm) =	ssettm $0x7FFFFFFF  }
0xc3: {  	_ =	shalt  }
tec
execute0_lowered:
.L_overlay_start_1:
0x0: {  	(tag) =	ssettag $0x1  }
0x1: {  	s1 =	rddreg [dreg:$0x0]  }
0x2: {  	s5 =	rddreg [dreg:$0x1]  }
0x3: {  	s0 =	rddreg [dreg:$0x2]  }
0x4: {  	s3 =	simm.s32 $0x0;
	s4 =	srdreg.scid;
	s2 =	stileid.u32  }
0x5: {  	s13 =	simm.s32 $0x1F90;
	s6 =	sand.u32 $0x1, s4;
	s25 =	sshll.u32 s2, $0x1  }
0x6: {  	s14 =	simm.s32 $0x1;
	s15 =	simm.s32 $0x2;
	s7 =	sor.u32 s6, s25  }
0x7: {  	s16 =	simm.s32 $0x3F10;
	s17 =	simm.s32 $0x0;
	s9 =	smul.u32 $0x7A100, s7  }
0x8: {  	[smem:$0x7FF] =	sst s3;
	s4 =	sadd.s32 $0xF42800, s5;
	s28 =	smul.u32 $0xF420, s7  }
0x9: {  	_ =	strace $0x80000047;
	s26 =	ssub.s32 $0x2, s6;
	s11 =	smul.u32 $0x7A10, s7  }
.Ltmp0:
0xa: {  	s8 =	sshll.u32 s7, $0x1;
	s29 =	sshrl.u32 s26, $0x1;
	(pc) =	sbr.rel .LBB2_1-.Ltmp0, $4  }
0xb: {  	s10 =	sadd.s32 s8, s5;
	s12 =	ssub.s32 s26, s29;
	s30 =	sshrl.u32 s9, $0x3  }
0xc: {  	s5 =	sadd.s32 s4, s28;
	s7 =	sadd.s32 $0x3F0, s11;
	s8 =	sadd.s32 $0x5E8, s11  }
0xd: {  	s9 =	sadd.s32 $0x112AE00, s10;
	s10 =	smax.u32 s12, $0x1;
	s31 =	sadd.s32 s4, s30  }
0xe: {  	v0 =	vimm.f32 $0.0e+00;
	s11 =	simm.s32 $0x3;
	s12 =	simm.s32 $0x10;
	s6 =	sadd.s32 $0x3F0, s31  }
.LBB2_8:
0xf: {  	s17 =	sadd.s32 $0x1, s17  }
0x10: {  	p0 =	sne.s32 s17, s10  }
.Ltmp1:
0x11: {  	[tilespmem:$0x3F10] =	vst v2;
	(pc) =	sbr.rel @!p0 .LBB2_9-.Ltmp1, $4  }
0x12: {  	[hbm4b:s9+s3] =	stream.linear.scatter [tilespmem:s16], [sflag:$0x3], $0x10, $0x38;
	[tilespmem:$0x3F20] =	vst v63  }
0x13: {  	_ =	swait.ge [sflag:s11], $0x10  }
0x14: {  	[sflag:s11] =	ssyncset.done $0x0  }
0x15: {  	[sflag:s11] =	ssyncadd.s32 $0xFFFFFFF0  }
.LBB2_1:
0x16: {  	[tilespmem:s3], [sflag:$0x3] =	stream.linear.gather [hbm4b:s1+s3], $0x10, $0x38;
	[tilespmem:$0x3F20] =	vst v63  }
0x17: {  	_ =	swait.ge [sflag:s11], $0x10  }
0x18: {  	[sflag:s11] =	ssyncset.done $0x0  }
0x19: {  	[sflag:s11] =	ssyncadd.s32 $0xFFFFFFF0  }
0x1a: {  	v1 =	vld [tilespmem:$0x0]  }
0x1b: {  	[tilespmem:s12], [sflag:$0x1] =	stream.linear.gather [hbm4b:s5+s3], $0x1F80, $0x38;
	[tilespmem:$0x3F20] =	vst v63  }
0x1c: {  	s18 =	simm.s32 $0x0  }
0x1d: {  	v2 =	vimm.f32 $0.0e+00;
	[tilespmem:s13], [sflag:$0x2] =	stream.linear.gather [hbm4b:s6+s3], $0x1F80, $0x38;
	[tilespmem:$0x3F20] =	vst v63  }
.LBB2_2:
0x1e: {  	_ =	swait.ge [sflag:s14], $0x1F80  }
0x1f: {  	[sflag:s14] =	ssyncset.done $0x0  }
0x20: {  	s20 =	simm.s32 $0x50;
	[sflag:s14] =	ssyncadd.s32 $0xFFFFE080  }
0x21: {  	v3 =	vld [tilespmem:s20+$0xFFFFFFC0];
	_ =	sdelay $0x1  }
0x22: {  	v4 =	vld [tilespmem:s20+$0xFFFFFFD0];
	_ =	sdelay $0x1  }
0x23: {  	v5 =	vld [tilespmem:s20+$0xFFFFFFE0]  }
0x24: {  	vm0 =	vlt.f32 v3, v1  }
0x25: {  	v6 =	vld [tilespmem:s20+$0xFFFFFFF0];
	v3 =	vsel vm0, $0x3F800000, v0  }
0x26: {  	vm0 =	vlt.f32 v4, v1;
	v2 =	vadd.f32 v3, v2  }
0x27: {  	v3 =	vsel vm0, $0x3F800000, v0  }
0x28: {  	v4 =	vld [tilespmem:s20+$0x0];
	vm0 =	vlt.f32 v5, v1;
	v2 =	vadd.f32 v3, v2  }
0x29: {  	v3 =	vsel vm0, $0x3F800000, v0  }
0x2a: {  	v5 =	vld [tilespmem:s20+$0x10];
	vm0 =	vlt.f32 v6, v1;
	v2 =	vadd.f32 v3, v2  }
0x2b: {  	v3 =	vsel vm0, $0x3F800000, v0  }
0x2c: {  	v6 =	vadd.f32 v3, v2;
	v3 =	vld [tilespmem:s20+$0x20]  }
0x2d: {  	vm0 =	vlt.f32 v4, v1  }
0x2e: {  	v4 =	vsel vm0, $0x3F800000, v0;
	v2 =	vld [tilespmem:s20+$0x30]  }
0x2f: {  	s19 =	simm.s32 $0x0;
	vm0 =	vlt.f32 v5, v1;
	s20 =	simm.s32 $0xD0;
	v4 =	vadd.f32 v4, v6  }
.LBB2_3:
0x30: {  	v5 =	vld [tilespmem:s20+$0xFFFFFFC0];
	s19 =	sadd.s32 $0x8, s19;
	v6 =	vsel vm0, $0x3F800000, v0  }
0x31: {  	p0 =	slt.u32 s19, $0x1F0;
	v4 =	vadd.f32 v6, v4;
	vm0 =	vlt.f32 v3, v1  }
0x32: {  	v3 =	vld [tilespmem:s20+$0xFFFFFFD0];
	v6 =	vsel vm0, $0x3F800000, v0  }
0x33: {  	v4 =	vadd.f32 v6, v4;
	vm0 =	vlt.f32 v2, v1  }
0x34: {  	v2 =	vld [tilespmem:s20+$0xFFFFFFE0];
	v6 =	vsel vm0, $0x3F800000, v0  }
0x35: {  	vm0 =	vlt.f32 v5, v1;
	v4 =	vadd.f32 v6, v4  }
0x36: {  	v5 =	vsel vm0, $0x3F800000, v0;
	v6 =	vld [tilespmem:s20+$0xFFFFFFF0]  }
0x37: {  	v4 =	vadd.f32 v5, v4;
	vm0 =	vlt.f32 v3, v1  }
0x38: {  	v3 =	vsel vm0, $0x3F800000, v0;
	v5 =	vld [tilespmem:s20+$0x0]  }
0x39: {  	v3 =	vadd.f32 v3, v4;
	vm0 =	vlt.f32 v2, v1  }
0x3a: {  	v2 =	vsel vm0, $0x3F800000, v0;
	v7 =	vld [tilespmem:s20+$0x10]  }
.Ltmp2:
0x3b: {  	v2 =	vadd.f32 v2, v3;
	vm0 =	vlt.f32 v6, v1;
	(pc) =	sbr.rel @p0 .LBB2_3-.Ltmp2, $4  }
0x3c: {  	v4 =	vsel vm0, $0x3F800000, v0;
	v3 =	vld [tilespmem:s20+$0x20]  }
0x3d: {  	v4 =	vadd.f32 v4, v2;
	vm0 =	vlt.f32 v5, v1  }
0x3e: {  	v5 =	vsel vm0, $0x3F800000, v0;
	v2 =	vld [tilespmem:s20+$0x30]  }
0x3f: {  	s20 =	sadd.s32 $0x80, s20;
	v4 =	vadd.f32 v5, v4;
	vm0 =	vlt.f32 v7, v1  }
0x40: {  	p0 =	seq.s32 s18, $0x1E  }
0x41: {  	s19 =	smul.u32 @!p0 $0x3F0, s18;
	_ =	sdelay $0x1  }
0x42: {  	s19 =	sadd.s32 @!p0 s19, s7  }
0x43: {  	s19 =	sshll.u32 @!p0 s19, $0x1  }
0x44: {  	s19 =	sand.u32 @!p0 $0x1FFFFFE0, s19  }
0x45: {  	s20 =	simm.s32 @!p0 $0x0;
	s21 =	simm.s32 @!p0 $0x10;
	s19 =	sadd.s32 @!p0 s4, s19  }
0x46: {  	[tilespmem:s21], [sflag:$0x1] =	stream.linear.gather @!p0 [hbm4b:s19+s20], $0x1F80, $0x38;
	[tilespmem:$0x3F20] =	vst v63  }
0x47: {  	_ =	swait.ge [sflag:s15], $0x1F80  }
0x48: {  	[sflag:s15] =	ssyncset.done $0x0  }
0x49: {  	s31 =	simm.s32 $0x1FD0;
	[sflag:s15] =	ssyncadd.s32 $0xFFFFE080  }
0x4a: {  	v5 =	vsel vm0, $0x3F800000, v0;
	v6 =	vld [tilespmem:s31+$0xFFFFFFC0]  }
0x4b: {  	v4 =	vadd.f32 v5, v4;
	vm0 =	vlt.f32 v3, v1  }
0x4c: {  	v3 =	vsel vm0, $0x3F800000, v0;
	v5 =	vld [tilespmem:s31+$0xFFFFFFD0]  }
0x4d: {  	v3 =	vadd.f32 v3, v4;
	vm0 =	vlt.f32 v2, v1  }
0x4e: {  	v2 =	vsel vm0, $0x3F800000, v0;
	v4 =	vld [tilespmem:s31+$0xFFFFFFE0]  }
0x4f: {  	v2 =	vadd.f32 v2, v3;
	vm0 =	vlt.f32 v6, v1  }
0x50: {  	v6 =	vld [tilespmem:s31+$0xFFFFFFF0];
	v3 =	vsel vm0, $0x3F800000, v0  }
0x51: {  	vm0 =	vlt.f32 v5, v1;
	v2 =	vadd.f32 v3, v2  }
0x52: {  	v3 =	vsel vm0, $0x3F800000, v0  }
0x53: {  	v5 =	vld [tilespmem:s31+$0x0];
	vm0 =	vlt.f32 v4, v1;
	v2 =	vadd.f32 v3, v2  }
0x54: {  	v3 =	vsel vm0, $0x3F800000, v0  }
0x55: {  	v7 =	vld [tilespmem:s31+$0x10];
	vm0 =	vlt.f32 v6, v1;
	v2 =	vadd.f32 v3, v2  }
0x56: {  	v3 =	vsel vm0, $0x3F800000, v0  }
0x57: {  	v4 =	vadd.f32 v3, v2;
	v2 =	vld [tilespmem:s31+$0x20]  }
0x58: {  	vm0 =	vlt.f32 v5, v1  }
0x59: {  	v5 =	vsel vm0, $0x3F800000, v0;
	v3 =	vld [tilespmem:s31+$0x30]  }
0x5a: {  	s19 =	simm.s32 $0x0;
	s20 =	simm.s32 $0x2050;
	vm0 =	vlt.f32 v7, v1;
	v4 =	vadd.f32 v5, v4  }
.LBB2_5:
0x5b: {  	v5 =	vld [tilespmem:s20+$0xFFFFFFC0];
	s19 =	sadd.s32 $0x8, s19;
	v6 =	vsel vm0, $0x3F800000, v0  }
0x5c: {  	p1 =	slt.u32 s19, $0x1F0;
	v4 =	vadd.f32 v6, v4;
	vm0 =	vlt.f32 v2, v1  }
0x5d: {  	v2 =	vld [tilespmem:s20+$0xFFFFFFD0];
	v6 =	vsel vm0, $0x3F800000, v0  }
0x5e: {  	v4 =	vadd.f32 v6, v4;
	vm0 =	vlt.f32 v3, v1  }
0x5f: {  	v3 =	vld [tilespmem:s20+$0xFFFFFFE0];
	v6 =	vsel vm0, $0x3F800000, v0  }
0x60: {  	vm0 =	vlt.f32 v5, v1;
	v4 =	vadd.f32 v6, v4  }
0x61: {  	v5 =	vsel vm0, $0x3F800000, v0;
	v6 =	vld [tilespmem:s20+$0xFFFFFFF0]  }
0x62: {  	v4 =	vadd.f32 v5, v4;
	vm0 =	vlt.f32 v2, v1  }
0x63: {  	v2 =	vsel vm0, $0x3F800000, v0;
	v5 =	vld [tilespmem:s20+$0x0]  }
0x64: {  	v2 =	vadd.f32 v2, v4;
	vm0 =	vlt.f32 v3, v1  }
0x65: {  	v3 =	vsel vm0, $0x3F800000, v0;
	v7 =	vld [tilespmem:s20+$0x10]  }
.Ltmp3:
0x66: {  	v3 =	vadd.f32 v3, v2;
	vm0 =	vlt.f32 v6, v1;
	(pc) =	sbr.rel @p1 .LBB2_5-.Ltmp3, $4  }
0x67: {  	v4 =	vsel vm0, $0x3F800000, v0;
	v2 =	vld [tilespmem:s20+$0x20]  }
0x68: {  	v4 =	vadd.f32 v4, v3;
	vm0 =	vlt.f32 v5, v1  }
0x69: {  	v5 =	vsel vm0, $0x3F800000, v0;
	v3 =	vld [tilespmem:s20+$0x30]  }
0x6a: {  	s20 =	sadd.s32 $0x80, s20;
	v4 =	vadd.f32 v5, v4;
	vm0 =	vlt.f32 v7, v1  }
0x6b: {  	v5 =	vsel vm0, $0x3F800000, v0  }
.Ltmp4:
0x6c: {  	v4 =	vadd.f32 v5, v4;
	vm14 =	vlt.f32 v2, v1;
	(pc) =	sbr.rel @p0 .LBB2_8-.Ltmp4, $4  }
0x6d: {  	v2 =	vsel vm14, $0x3F800000, v0  }
0x6e: {  	v2 =	vadd.f32 v2, v4;
	vm15 =	vlt.f32 v3, v1  }
0x6f: {  	v3 =	vsel vm15, $0x3F800000, v0  }
0x70: {  	v2 =	vadd.f32 v3, v2  }
0x71: {  	s19 =	smul.u32 $0x3F0, s18;
	_ =	sdelay $0x1  }
.Ltmp5:
0x72: {  	s19 =	sadd.s32 s19, s8;
	(pc) =	sbr.rel .LBB2_2-.Ltmp5, $4  }
0x73: {  	s19 =	sshll.u32 s19, $0x1  }
0x74: {  	s19 =	sand.u32 $0x1FFFFFF0, s19  }
0x75: {  	s18 =	sadd.s32 $0x1, s18;
	s19 =	sadd.s32 s4, s19  }
0x76: {  	[tilespmem:s13], [sflag:$0x2] =	stream.linear.gather [hbm4b:s19+s3], $0x1F80, $0x38;
	[tilespmem:$0x3F20] =	vst v63  }
.LBB2_9:
0x77: {  	_ =	sfence.sel $0x180000  }
0x78: {  	[bflag:$0x0] =	sbarrier.arrive $0xFFFF  }
0x79: {  	p0 =	sne.s32 s2, $0x0;
	_ =	strace $0x90000047  }
0x7a: {  	s0 =	sadd.s32 @!p0 $0x100000, s0;
	[bflag:$0x2] =	sbarrier.arrive $0xFFFF  }
0x7b: {  	[sflag:s0] =	ssyncadd.tile.s32 @!p0 $0x1;
	_ =	shalt  }
.Lfunc_end2:
_tile_overlayer_lowered:
.L_overlay_start_2:
0x7c: {  	(tag) =	ssettag $0x2  }
0x7d: {  	s0 =	rddreg [dreg:$0x0];
	s2 =	stileid.u32  }
0x7e: {  	s1 =	rddreg [dreg:$0x1];
	p0 =	sne.s32 s2, $0x0  }
0x7f: {  	s3 =	rddreg [dreg:$0x2];
	[bflag:$0x3] =	sbarrier.arrive $0xFFFF;
	s2 =	simm.s32 @!p0 $0x1C03  }
0x80: {  	[timem:s3], [sflag:s2] =	dma.local @!p0 [hbm:s0], s1  }
0x81: {  	s0 =	simm.s32 @!p0 $0x3  }
0x82: {  	_ =	swait.ge @!p0 [sflag:s0], s1  }
0x83: {  	s1 =	ssub.s32 @!p0 $0x0, s1;
	[sflag:s0] =	ssyncset.done @!p0 $0x0  }
0x84: {  	[sflag:s0] =	ssyncadd.s32 @!p0 s1  }
0x85: {  	[bflag:$0x3] =	sbarrier.arrive $0xFFFF  }
0x86: {  	_ =	shalt  }

</sc_bundles>
